<compile_context>
chip_gen: v7x
topology: tpu7x:2x2x1
jax: 0.10.2.dev20260603
libtpu: 0.0.44.dev20260713+nightly
codegen_flags: <defaults>
</compile_context>

<pallas_src>
import functools

import numpy as np

import jax
import jax.numpy as jnp
from jax import lax
from jax.experimental import pallas as pl
from jax.experimental.pallas import tpu as pltpu
from jax.experimental.pallas import tpu_sc as plsc

_G = 512
_N = 4194304
_ROWS = 32768
_TBR = 512
_NC, _NS = 2, 16
_NW = _NC * _NS
_PW = _N // _NW
_WIN = 8192


def _tc1_body(x_ref, s_ref, t_ref, wx_ref, wlo_ref, widx_ref, aux_ref):
    f = jnp.round(x_ref[...] * s_ref[...] + t_ref[...])
    f = jnp.clip(f, -4.0, 516.0)
    hi = lax.dot(f, wx_ref[...], precision=lax.Precision.HIGHEST,
                 preferred_element_type=jnp.float32)
    lo = lax.dot(f, wlo_ref[...], precision=lax.Precision.HIGHEST,
                 preferred_element_type=jnp.float32)
    hii = hi.astype(jnp.int32)
    loi = lo.astype(jnp.int32)
    jj = loi >> 10
    kk = loi & 1023
    inb = ((hii >= 0) & (hii < _G) & (jj >= 0) & (jj < _G)
           & (kk >= 0) & (kk < _G))
    lin = ((jnp.clip(hii, 0, _G - 1) << 18)
           | (jnp.clip(jj, 0, _G - 1) << 9)
           | jnp.clip(kk, 0, _G - 1))
    widx_ref[...] = (lin >> 2).reshape(_TBR * 128)
    aux = ((lin & 3) << 3) | (inb.astype(jnp.int32) << 5)
    aux_ref[...] = aux.astype(jnp.int8).reshape(_TBR * 128)


_tc1 = pl.pallas_call(
    _tc1_body,
    grid=(_ROWS // _TBR,),
    in_specs=[
        pl.BlockSpec((_TBR, 384), lambda g: (g, 0)),
        pl.BlockSpec((1, 384), lambda g: (0, 0)),
        pl.BlockSpec((1, 384), lambda g: (0, 0)),
        pl.BlockSpec((384, 128), lambda g: (0, 0)),
        pl.BlockSpec((384, 128), lambda g: (0, 0)),
    ],
    out_specs=[
        pl.BlockSpec((_TBR * 128,), lambda g: (g,)),
        pl.BlockSpec((_TBR * 128,), lambda g: (g,)),
    ],
    out_shape=[
        jax.ShapeDtypeStruct((_N,), jnp.int32),
        jax.ShapeDtypeStruct((_N,), jnp.int8),
    ],
)


def _sc_body(tbl_hbm, widx_hbm, out_hbm, idx_v, gw_v, sem):
    wid = lax.axis_index("s") * _NC + lax.axis_index("c")
    base = wid * _PW

    def win_body(w, carry):
        off = base + w * _WIN
        pltpu.sync_copy(widx_hbm.at[pl.ds(off, _WIN)], idx_v)

        def issue(i, c):
            v = idx_v[pl.ds(i * 16, 16)]
            pltpu.async_copy(tbl_hbm.at[v], gw_v.at[pl.ds(i * 16, 16)], sem)
            return c

        lax.fori_loop(0, _WIN // 16, issue, 0, unroll=8)
        pltpu.make_async_copy(widx_hbm.at[pl.ds(off, _WIN)], gw_v, sem).wait()
        pltpu.sync_copy(gw_v, out_hbm.at[pl.ds(off, _WIN)])
        return carry

    lax.fori_loop(0, _PW // _WIN, win_body, 0)


@functools.cache
def _sc_gather_kernel():
    mesh = plsc.VectorSubcoreMesh(core_axis_name="c", subcore_axis_name="s",
                                  num_cores=_NC, num_subcores=_NS)
    return pl.kernel(
        _sc_body,
        out_type=jax.ShapeDtypeStruct((_N,), jnp.int32),
        mesh=mesh,
        scratch_types=[
            pltpu.VMEM((_WIN,), jnp.int32),
            pltpu.VMEM((_WIN,), jnp.int32),
            pltpu.SemaphoreType.DMA,
        ],
    )


def _tc2_body(gw_ref, aux_ref, o_ref):
    w = gw_ref[...]
    a = aux_ref[...].astype(jnp.int32)
    bit = (w >> (a & 31)) & (a >> 5)
    o_ref[...] = bit == 1


_tc2 = pl.pallas_call(
    _tc2_body,
    grid=(32,),
    in_specs=[
        pl.BlockSpec((_N // 32,), lambda g: (g,)),
        pl.BlockSpec((_N // 32,), lambda g: (g,)),
    ],
    out_specs=pl.BlockSpec((_N // 32,), lambda g: (g,)),
    out_shape=jax.ShapeDtypeStruct((_N,), jnp.bool_),
)


def _sel_weights():
    wx = np.zeros((384, 128), np.float32)
    wlo = np.zeros((384, 128), np.float32)
    for i in range(384):
        j = i // 3
        c = i % 3
        if c == 0:
            wx[i, j] = 1.0
        elif c == 1:
            wlo[i, j] = 1024.0
        else:
            wlo[i, j] = 1.0
    return jnp.asarray(wx), jnp.asarray(wlo)


def kernel(xyz, mask, xyz2ijk_scale, xyz2ijk_shift):
    xmat = xyz.reshape(_ROWS, 384)
    svec = jnp.tile(xyz2ijk_scale, 128).reshape(1, 384)
    tvec = jnp.tile(xyz2ijk_shift, 128).reshape(1, 384)
    wx, wlo = _sel_weights()
    tbl = lax.bitcast_convert_type(
        mask.astype(jnp.uint8).reshape(_G, _G, _G // 4, 4), jnp.int32)
    tbl = tbl.reshape(_G * _G * (_G // 4))
    widx, aux = _tc1(xmat, svec, tvec, wx, wlo)
    gw = _sc_gather_kernel()(tbl, widx)
    out = _tc2(gw, aux)
    return out

# --- scband reference (transcript-rebuilt; emitter-appended) ---
"""Pipeline reference for scband-mask-grid-87591563035295 (READ-ONLY COPY).

The authoritative reference and input builder live on the scoring server;
editing this copy changes nothing except your own understanding.
"""

import jax, jax.numpy as jnp
import numpy as np

GRID = 512
N_PTS = 4194304
XYZ_MIN = np.array([0.0, 0.0, 0.0], dtype=np.float32)
XYZ_MAX = np.array([1.0, 1.0, 1.0], dtype=np.float32)


def setup_inputs(seed: int = 0) -> dict:
    key = jax.random.key(seed)
    k1, k2 = jax.random.split(key)
    xyz = jax.random.uniform(k1, (N_PTS, 3), dtype=jnp.float32)
    mask = jax.random.bernoulli(k2, 0.5, (GRID, GRID, GRID))
    xyz_len = jnp.asarray(XYZ_MAX - XYZ_MIN)
    xyz2ijk_scale = (jnp.array([GRID, GRID, GRID], dtype=jnp.float32) - 1.0) / xyz_len
    xyz2ijk_shift = -jnp.asarray(XYZ_MIN) * xyz2ijk_scale
    return {"xyz": xyz, "mask": mask, "xyz2ijk_scale": xyz2ijk_scale, "xyz2ijk_shift": xyz2ijk_shift}


def reference(xyz, mask, xyz2ijk_scale, xyz2ijk_shift):
    # Faithful JAX port of neural_pbir_cuda_utils.maskcache_lookup:
    # nearest-neighbor index into the bool occupancy grid; out-of-bounds -> False.
    shape = xyz.shape[:-1]
    xyz_flat = xyz.reshape(-1, 3)
    ijk = jnp.round(xyz_flat * xyz2ijk_scale + xyz2ijk_shift).astype(jnp.int32)
    gs = jnp.array(mask.shape, dtype=jnp.int32)
    in_bounds = jnp.all((ijk >= 0) & (ijk < gs), axis=-1)
    ijk_c = jnp.clip(ijk, 0, gs - 1)
    vals = mask[ijk_c[:, 0], ijk_c[:, 1], ijk_c[:, 2]]
    out = vals & in_bounds
    return out.reshape(shape)

if __name__ == "__main__":
    import jax
    _d = setup_inputs()
    print(jax.jit(kernel)(*tuple(_d.values())))

</pallas_src>

<mosaic_0001>
#map = affine_map<(d0, d1) -> (0)>
module attributes {stable_mosaic.version = 14 : i64} {
  func.func @_sc_body(%arg0: i32, %arg1: i32, %arg2: memref<33554432xi32, #tpu.memory_space<hbm>>, %arg3: memref<4194304xi32, #tpu.memory_space<hbm>>, %arg4: memref<4194304xi32, #tpu.memory_space<hbm>>, %arg5: memref<8192xi32, #tpu.memory_space<vmem>>, %arg6: memref<8192xi32, #tpu.memory_space<vmem>>, %arg7: memref<!tpu.dma_semaphore, #tpu.memory_space<semaphore_mem>>) attributes {dimension_semantics = [#tpu.dimension_semantics<core_parallel>, #tpu.dimension_semantics<subcore_parallel>], iteration_bounds = array<i64: 2, 16>, scalar_prefetch = 0 : i64, scratch_operands = 3 : i64, tpu.core_type = #tpu.core_type<sc_vector_subcore>, window_params = [{transform_indices = #map}, {transform_indices = #map}, {transform_indices = #map}]} {
    %mul3A = arith.constant 2 : i32
    %mul3A_0 = arith.muli %arg1, %mul3A : i32
    %add3A = arith.addi %mul3A_0, %arg0 : i32
    %mul3A_1 = arith.constant 131072 : i32
    %mul3A_2 = arith.muli %add3A, %mul3A_1 : i32
    %scan3A = arith.constant 0 : i32
    %scan3A_3 = arith.constant 0 : i32
    %scan3A_4 = arith.constant 16 : i32
    %scan3A_5 = arith.addi %scan3A_3, %scan3A_4 : i32
    %scan3A_6 = arith.constant 1 : i32
    scf.for %scan3A_8 = %scan3A_3 to %scan3A_5 step %scan3A_6  : i32 {
      %mul3A_9 = arith.constant 8192 : i32
      %mul3A_10 = arith.muli %scan3A_8, %mul3A_9 : i32
      %add3A_11 = arith.addi %mul3A_2, %mul3A_10 : i32
      "tpu.region"() ({
        %run_scoped3A = tpu.sem_alloc : memref<!tpu.dma_semaphore, #tpu.memory_space<semaphore_mem>>
        %dma_start3A = tpu.memref_slice %arg3[%add3A_11] : memref<4194304xi32, #tpu.memory_space<hbm>> -> memref<8192xi32, #tpu.memory_space<hbm>>
        %dma_start3A_19 = tpu.memref_slice %arg3[%add3A_11] : memref<4194304xi32, #tpu.memory_space<hbm>> -> memref<8192xi32, #tpu.memory_space<hbm>>
        tpu.enqueue_dma source(%dma_start3A_19 : memref<8192xi32, #tpu.memory_space<hbm>>) target(%arg5 : memref<8192xi32, #tpu.memory_space<vmem>>) target_semaphore(%run_scoped3A : memref<!tpu.dma_semaphore, #tpu.memory_space<semaphore_mem>>)
        %dma_wait3A_20 = tpu.memref_slice %arg3[%add3A_11] : memref<4194304xi32, #tpu.memory_space<hbm>> -> memref<8192xi32, #tpu.memory_space<hbm>>
        %dma_wait3A_21 = tpu.memref_slice %arg3[%add3A_11] : memref<4194304xi32, #tpu.memory_space<hbm>> -> memref<8192xi32, #tpu.memory_space<hbm>>
        tpu.wait_dma2 semaphore(%run_scoped3A : memref<!tpu.dma_semaphore, #tpu.memory_space<semaphore_mem>>) src(%dma_wait3A_21 : memref<8192xi32, #tpu.memory_space<hbm>>) dst(%arg5 : memref<8192xi32, #tpu.memory_space<vmem>>)
        tpu.yield
      }) : () -> ()
      %scan3A_12 = arith.constant 0 : i32
      %scan3A_13 = arith.constant 0 : i32
      %scan3A_14 = arith.constant 512 : i32
      %scan3A_15 = arith.addi %scan3A_13, %scan3A_14 : i32
      %scan3A_16 = arith.constant 8 : i32
      scf.for %scan3A_19 = %scan3A_13 to %scan3A_15 step %scan3A_16  : i32 {
        %mul3A_20 = arith.constant 16 : i32
        %mul3A_21 = arith.muli %scan3A_19, %mul3A_20 : i32
        %get3A = arith.index_cast %mul3A_21 : i32 to index
        %get3A_22 = tpu.vector_load %arg5[%get3A] {strides = array<i32>} : memref<8192xi32, #tpu.memory_space<vmem>>, vector<16xi32>,
        %get3A_23 = vector.shape_cast %get3A_22 : vector<16xi32> to vector<16xi32>
        %mul3A_24 = arith.constant 16 : i32
        %mul3A_25 = arith.muli %scan3A_19, %mul3A_24 : i32
        %dma_start3A = tpu.memref_slice %arg6[%mul3A_25] : memref<8192xi32, #tpu.memory_space<vmem>> -> memref<16xi32, #tpu.memory_space<vmem>>
        %dma_start3A_26 = arith.constant 0 : i32
        %dma_start3A_27 = tpu.memref_slice %arg2[%dma_start3A_26] : memref<33554432xi32, #tpu.memory_space<hbm>> -> memref<33554432xi32, #tpu.memory_space<hbm>>
        tpu.enqueue_indirect_dma source(%dma_start3A_27 : memref<33554432xi32, #tpu.memory_space<hbm>>) target(%dma_start3A : memref<16xi32, #tpu.memory_space<vmem>>) offsets(%get3A_23 : vector<16xi32>) semaphore(%arg7 : memref<!tpu.dma_semaphore, #tpu.memory_space<semaphore_mem>>)
        %scan3A_28 = arith.constant 1 : i32
        %scan3A_29 = arith.addi %scan3A_19, %scan3A_28 : i32
        %mul3A_30 = arith.constant 16 : i32
        %mul3A_31 = arith.muli %scan3A_29, %mul3A_30 : i32
        %get3A_32 = arith.index_cast %mul3A_31 : i32 to index
        %get3A_33 = tpu.vector_load %arg5[%get3A_32] {strides = array<i32>} : memref<8192xi32, #tpu.memory_space<vmem>>, vector<16xi32>,
        %get3A_34 = vector.shape_cast %get3A_33 : vector<16xi32> to vector<16xi32>
        %mul3A_35 = arith.constant 16 : i32
        %mul3A_36 = arith.muli %scan3A_29, %mul3A_35 : i32
        %dma_start3A_37 = tpu.memref_slice %arg6[%mul3A_36] : memref<8192xi32, #tpu.memory_space<vmem>> -> memref<16xi32, #tpu.memory_space<vmem>>
        %dma_start3A_38 = arith.constant 0 : i32
        %dma_start3A_39 = tpu.memref_slice %arg2[%dma_start3A_38] : memref<33554432xi32, #tpu.memory_space<hbm>> -> memref<33554432xi32, #tpu.memory_space<hbm>>
        tpu.enqueue_indirect_dma source(%dma_start3A_39 : memref<33554432xi32, #tpu.memory_space<hbm>>) target(%dma_start3A_37 : memref<16xi32, #tpu.memory_space<vmem>>) offsets(%get3A_34 : vector<16xi32>) semaphore(%arg7 : memref<!tpu.dma_semaphore, #tpu.memory_space<semaphore_mem>>)
        %scan3A_40 = arith.constant 2 : i32
        %scan3A_41 = arith.addi %scan3A_19, %scan3A_40 : i32
        %mul3A_42 = arith.constant 16 : i32
        %mul3A_43 = arith.muli %scan3A_41, %mul3A_42 : i32
        %get3A_44 = arith.index_cast %mul3A_43 : i32 to index
        %get3A_45 = tpu.vector_load %arg5[%get3A_44] {strides = array<i32>} : memref<8192xi32, #tpu.memory_space<vmem>>, vector<16xi32>,
        %get3A_46 = vector.shape_cast %get3A_45 : vector<16xi32> to vector<16xi32>
        %mul3A_47 = arith.constant 16 : i32
        %mul3A_48 = arith.muli %scan3A_41, %mul3A_47 : i32
        %dma_start3A_49 = tpu.memref_slice %arg6[%mul3A_48] : memref<8192xi32, #tpu.memory_space<vmem>> -> memref<16xi32, #tpu.memory_space<vmem>>
        %dma_start3A_50 = arith.constant 0 : i32
        %dma_start3A_51 = tpu.memref_slice %arg2[%dma_start3A_50] : memref<33554432xi32, #tpu.memory_space<hbm>> -> memref<33554432xi32, #tpu.memory_space<hbm>>
        tpu.enqueue_indirect_dma source(%dma_start3A_51 : memref<33554432xi32, #tpu.memory_space<hbm>>) target(%dma_start3A_49 : memref<16xi32, #tpu.memory_space<vmem>>) offsets(%get3A_46 : vector<16xi32>) semaphore(%arg7 : memref<!tpu.dma_semaphore, #tpu.memory_space<semaphore_mem>>)
        %scan3A_52 = arith.constant 3 : i32
        %scan3A_53 = arith.addi %scan3A_19, %scan3A_52 : i32
        %mul3A_54 = arith.constant 16 : i32
        %mul3A_55 = arith.muli %scan3A_53, %mul3A_54 : i32
        %get3A_56 = arith.index_cast %mul3A_55 : i32 to index
        %get3A_57 = tpu.vector_load %arg5[%get3A_56] {strides = array<i32>} : memref<8192xi32, #tpu.memory_space<vmem>>, vector<16xi32>,
        %get3A_58 = vector.shape_cast %get3A_57 : vector<16xi32> to vector<16xi32>
        %mul3A_59 = arith.constant 16 : i32
        %mul3A_60 = arith.muli %scan3A_53, %mul3A_59 : i32
        %dma_start3A_61 = tpu.memref_slice %arg6[%mul3A_60] : memref<8192xi32, #tpu.memory_space<vmem>> -> memref<16xi32, #tpu.memory_space<vmem>>
        %dma_start3A_62 = arith.constant 0 : i32
        %dma_start3A_63 = tpu.memref_slice %arg2[%dma_start3A_62] : memref<33554432xi32, #tpu.memory_space<hbm>> -> memref<33554432xi32, #tpu.memory_space<hbm>>
        tpu.enqueue_indirect_dma source(%dma_start3A_63 : memref<33554432xi32, #tpu.memory_space<hbm>>) target(%dma_start3A_61 : memref<16xi32, #tpu.memory_space<vmem>>) offsets(%get3A_58 : vector<16xi32>) semaphore(%arg7 : memref<!tpu.dma_semaphore, #tpu.memory_space<semaphore_mem>>)
        %scan3A_64 = arith.constant 4 : i32
        %scan3A_65 = arith.addi %scan3A_19, %scan3A_64 : i32
        %mul3A_66 = arith.constant 16 : i32
        %mul3A_67 = arith.muli %scan3A_65, %mul3A_66 : i32
        %get3A_68 = arith.index_cast %mul3A_67 : i32 to index
        %get3A_69 = tpu.vector_load %arg5[%get3A_68] {strides = array<i32>} : memref<8192xi32, #tpu.memory_space<vmem>>, vector<16xi32>,
        %get3A_70 = vector.shape_cast %get3A_69 : vector<16xi32> to vector<16xi32>
        %mul3A_71 = arith.constant 16 : i32
        %mul3A_72 = arith.muli %scan3A_65, %mul3A_71 : i32
        %dma_start3A_73 = tpu.memref_slice %arg6[%mul3A_72] : memref<8192xi32, #tpu.memory_space<vmem>> -> memref<16xi32, #tpu.memory_space<vmem>>
        %dma_start3A_74 = arith.constant 0 : i32
        %dma_start3A_75 = tpu.memref_slice %arg2[%dma_start3A_74] : memref<33554432xi32, #tpu.memory_space<hbm>> -> memref<33554432xi32, #tpu.memory_space<hbm>>
        tpu.enqueue_indirect_dma source(%dma_start3A_75 : memref<33554432xi32, #tpu.memory_space<hbm>>) target(%dma_start3A_73 : memref<16xi32, #tpu.memory_space<vmem>>) offsets(%get3A_70 : vector<16xi32>) semaphore(%arg7 : memref<!tpu.dma_semaphore, #tpu.memory_space<semaphore_mem>>)
        %scan3A_76 = arith.constant 5 : i32
        %scan3A_77 = arith.addi %scan3A_19, %scan3A_76 : i32
        %mul3A_78 = arith.constant 16 : i32
        %mul3A_79 = arith.muli %scan3A_77, %mul3A_78 : i32
        %get3A_80 = arith.index_cast %mul3A_79 : i32 to index
        %get3A_81 = tpu.vector_load %arg5[%get3A_80] {strides = array<i32>} : memref<8192xi32, #tpu.memory_space<vmem>>, vector<16xi32>,
        %get3A_82 = vector.shape_cast %get3A_81 : vector<16xi32> to vector<16xi32>
        %mul3A_83 = arith.constant 16 : i32
        %mul3A_84 = arith.muli %scan3A_77, %mul3A_83 : i32
        %dma_start3A_85 = tpu.memref_slice %arg6[%mul3A_84] : memref<8192xi32, #tpu.memory_space<vmem>> -> memref<16xi32, #tpu.memory_space<vmem>>
        %dma_start3A_86 = arith.constant 0 : i32
        %dma_start3A_87 = tpu.memref_slice %arg2[%dma_start3A_86] : memref<33554432xi32, #tpu.memory_space<hbm>> -> memref<33554432xi32, #tpu.memory_space<hbm>>
        tpu.enqueue_indirect_dma source(%dma_start3A_87 : memref<33554432xi32, #tpu.memory_space<hbm>>) target(%dma_start3A_85 : memref<16xi32, #tpu.memory_space<vmem>>) offsets(%get3A_82 : vector<16xi32>) semaphore(%arg7 : memref<!tpu.dma_semaphore, #tpu.memory_space<semaphore_mem>>)
        %scan3A_88 = arith.constant 6 : i32
        %scan3A_89 = arith.addi %scan3A_19, %scan3A_88 : i32
        %mul3A_90 = arith.constant 16 : i32
        %mul3A_91 = arith.muli %scan3A_89, %mul3A_90 : i32
        %get3A_92 = arith.index_cast %mul3A_91 : i32 to index
        %get3A_93 = tpu.vector_load %arg5[%get3A_92] {strides = array<i32>} : memref<8192xi32, #tpu.memory_space<vmem>>, vector<16xi32>,
        %get3A_94 = vector.shape_cast %get3A_93 : vector<16xi32> to vector<16xi32>
        %mul3A_95 = arith.constant 16 : i32
        %mul3A_96 = arith.muli %scan3A_89, %mul3A_95 : i32
        %dma_start3A_97 = tpu.memref_slice %arg6[%mul3A_96] : memref<8192xi32, #tpu.memory_space<vmem>> -> memref<16xi32, #tpu.memory_space<vmem>>
        %dma_start3A_98 = arith.constant 0 : i32
        %dma_start3A_99 = tpu.memref_slice %arg2[%dma_start3A_98] : memref<33554432xi32, #tpu.memory_space<hbm>> -> memref<33554432xi32, #tpu.memory_space<hbm>>
        tpu.enqueue_indirect_dma source(%dma_start3A_99 : memref<33554432xi32, #tpu.memory_space<hbm>>) target(%dma_start3A_97 : memref<16xi32, #tpu.memory_space<vmem>>) offsets(%get3A_94 : vector<16xi32>) semaphore(%arg7 : memref<!tpu.dma_semaphore, #tpu.memory_space<semaphore_mem>>)
        %scan3A_100 = arith.constant 7 : i32
        %scan3A_101 = arith.addi %scan3A_19, %scan3A_100 : i32
        %mul3A_102 = arith.constant 16 : i32
        %mul3A_103 = arith.muli %scan3A_101, %mul3A_102 : i32
        %get3A_104 = arith.index_cast %mul3A_103 : i32 to index
        %get3A_105 = tpu.vector_load %arg5[%get3A_104] {strides = array<i32>} : memref<8192xi32, #tpu.memory_space<vmem>>, vector<16xi32>,
        %get3A_106 = vector.shape_cast %get3A_105 : vector<16xi32> to vector<16xi32>
        %mul3A_107 = arith.constant 16 : i32
        %mul3A_108 = arith.muli %scan3A_101, %mul3A_107 : i32
        %dma_start3A_109 = tpu.memref_slice %arg6[%mul3A_108] : memref<8192xi32, #tpu.memory_space<vmem>> -> memref<16xi32, #tpu.memory_space<vmem>>
        %dma_start3A_110 = arith.constant 0 : i32
        %dma_start3A_111 = tpu.memref_slice %arg2[%dma_start3A_110] : memref<33554432xi32, #tpu.memory_space<hbm>> -> memref<33554432xi32, #tpu.memory_space<hbm>>
        tpu.enqueue_indirect_dma source(%dma_start3A_111 : memref<33554432xi32, #tpu.memory_space<hbm>>) target(%dma_start3A_109 : memref<16xi32, #tpu.memory_space<vmem>>) offsets(%get3A_106 : vector<16xi32>) semaphore(%arg7 : memref<!tpu.dma_semaphore, #tpu.memory_space<semaphore_mem>>)
      }
      %scan3A_17 = arith.constant 512 : i32
      %dma_wait3A = tpu.memref_slice %arg3[%add3A_11] : memref<4194304xi32, #tpu.memory_space<hbm>> -> memref<8192xi32, #tpu.memory_space<hbm>>
      %dma_wait3A_18 = tpu.memref_slice %arg3[%add3A_11] : memref<4194304xi32, #tpu.memory_space<hbm>> -> memref<8192xi32, #tpu.memory_space<hbm>>
      tpu.wait_dma2 semaphore(%arg7 : memref<!tpu.dma_semaphore, #tpu.memory_space<semaphore_mem>>) src(%dma_wait3A_18 : memref<8192xi32, #tpu.memory_space<hbm>>) dst(%arg6 : memref<8192xi32, #tpu.memory_space<vmem>>)
      "tpu.region"() ({
        %run_scoped3A = tpu.sem_alloc : memref<!tpu.dma_semaphore, #tpu.memory_space<semaphore_mem>>
        %dma_start3A = tpu.memref_slice %arg4[%add3A_11] : memref<4194304xi32, #tpu.memory_space<hbm>> -> memref<8192xi32, #tpu.memory_space<hbm>>
        %dma_start3A_19 = tpu.memref_slice %arg4[%add3A_11] : memref<4194304xi32, #tpu.memory_space<hbm>> -> memref<8192xi32, #tpu.memory_space<hbm>>
        tpu.enqueue_dma source(%arg6 : memref<8192xi32, #tpu.memory_space<vmem>>) target(%dma_start3A_19 : memref<8192xi32, #tpu.memory_space<hbm>>) target_semaphore(%run_scoped3A : memref<!tpu.dma_semaphore, #tpu.memory_space<semaphore_mem>>)
        %dma_wait3A_20 = tpu.memref_slice %arg4[%add3A_11] : memref<4194304xi32, #tpu.memory_space<hbm>> -> memref<8192xi32, #tpu.memory_space<hbm>>
        %dma_wait3A_21 = tpu.memref_slice %arg4[%add3A_11] : memref<4194304xi32, #tpu.memory_space<hbm>> -> memref<8192xi32, #tpu.memory_space<hbm>>
        tpu.wait_dma2 semaphore(%run_scoped3A : memref<!tpu.dma_semaphore, #tpu.memory_space<semaphore_mem>>) src(%arg6 : memref<8192xi32, #tpu.memory_space<vmem>>) dst(%dma_wait3A_21 : memref<8192xi32, #tpu.memory_space<hbm>>)
        tpu.yield
      }) : () -> ()
    }
    %scan3A_7 = arith.constant 16 : i32
    return
  }
}

module attributes {stable_mosaic.version = 14 : i64} {
  func.func @_tc1_body(%arg0: i32, %arg1: memref<512x384xf32, #tpu.memory_space<vmem>>, %arg2: memref<1x384xf32, #tpu.memory_space<vmem>>, %arg3: memref<1x384xf32, #tpu.memory_space<vmem>>, %arg4: memref<384x128xf32, #tpu.memory_space<vmem>>, %arg5: memref<384x128xf32, #tpu.memory_space<vmem>>, %arg6: memref<65536xi32, #tpu.memory_space<vmem>>, %arg7: memref<65536xi8, #tpu.memory_space<vmem>>) attributes {dimension_semantics = [#tpu.dimension_semantics<arbitrary>], iteration_bounds = array<i64: 64>, scalar_prefetch = 0 : i64, scratch_operands = 0 : i64, tpu.core_type = #tpu.core_type<tc>, window_params = [{transform_indices = @transform_0, window_bounds = array<i64: 512, 384>}, {pipeline_mode = #tpu.pipeline_mode<synchronous>, transform_indices = @transform_1, window_bounds = array<i64: 1, 384>}, {pipeline_mode = #tpu.pipeline_mode<synchronous>, transform_indices = @transform_2, window_bounds = array<i64: 1, 384>}, {pipeline_mode = #tpu.pipeline_mode<synchronous>, transform_indices = @transform_3, window_bounds = array<i64: 384, 128>}, {pipeline_mode = #tpu.pipeline_mode<synchronous>, transform_indices = @transform_4, window_bounds = array<i64: 384, 128>}, {transform_indices = @transform_5, window_bounds = array<i64: 65536>}, {transform_indices = @transform_6, window_bounds = array<i64: 65536>}]} {
    %get3A = arith.constant 0 : index
    %get3A_0 = arith.constant 0 : index
    %get3A_1 = vector.load %arg1[%get3A, %get3A_0] : memref<512x384xf32, #tpu.memory_space<vmem>>, vector<512x384xf32>
    %get3A_2 = arith.constant 0 : index
    %get3A_3 = arith.constant 0 : index
    %get3A_4 = vector.load %arg2[%get3A_2, %get3A_3] : memref<1x384xf32, #tpu.memory_space<vmem>>, vector<1x384xf32>
    %mul3A = vector.broadcast %get3A_4 : vector<1x384xf32> to vector<512x384xf32>
    %mul3A_5 = arith.mulf %get3A_1, %mul3A : vector<512x384xf32>
    %get3A_6 = arith.constant 0 : index
    %get3A_7 = arith.constant 0 : index
    %get3A_8 = vector.load %arg3[%get3A_6, %get3A_7] : memref<1x384xf32, #tpu.memory_space<vmem>>, vector<1x384xf32>
    %add3A = vector.broadcast %get3A_8 : vector<1x384xf32> to vector<512x384xf32>
    %add3A_9 = arith.addf %mul3A_5, %add3A : vector<512x384xf32>
    %round3A = math.roundeven %add3A_9 : vector<512x384xf32>
    %jit3A = arith.constant -4.000000e+00 : f32
    %jit3A_10 = arith.constant 5.160000e+02 : f32
    %max3A = vector.broadcast %jit3A : f32 to vector<512x384xf32>
    %max3A_11 = arith.maximumf %max3A, %round3A : vector<512x384xf32>
    %min3A = vector.broadcast %jit3A_10 : f32 to vector<512x384xf32>
    %min3A_12 = arith.minimumf %min3A, %max3A_11 : vector<512x384xf32>
    %get3A_13 = arith.constant 0 : index
    %get3A_14 = arith.constant 0 : index
    %get3A_15 = vector.load %arg4[%get3A_13, %get3A_14] : memref<384x128xf32, #tpu.memory_space<vmem>>, vector<384x128xf32>
    %dot_general3A = arith.constant dense<0.000000e+00> : vector<512x128xf32>
    %dot_general3A_16 = tpu.matmul %min3A_12, %get3A_15, %dot_general3A {dimension_numbers = #tpu.dot_dimension_numbers<[1], [0], [0], [1], [0, 0, 1, 1], [], []>, precision = #tpu.contract_precision<fp32>, transpose_lhs_hint = false} : vector<512x384xf32>, vector<384x128xf32>, vector<512x128xf32> -> vector<512x128xf32>
    %get3A_17 = arith.constant 0 : index
    %get3A_18 = arith.constant 0 : index
    %get3A_19 = vector.load %arg5[%get3A_17, %get3A_18] : memref<384x128xf32, #tpu.memory_space<vmem>>, vector<384x128xf32>
    %dot_general3A_20 = arith.constant dense<0.000000e+00> : vector<512x128xf32>
    %dot_general3A_21 = tpu.matmul %min3A_12, %get3A_19, %dot_general3A_20 {dimension_numbers = #tpu.dot_dimension_numbers<[1], [0], [0], [1], [0, 0, 1, 1], [], []>, precision = #tpu.contract_precision<fp32>, transpose_lhs_hint = false} : vector<512x384xf32>, vector<384x128xf32>, vector<512x128xf32> -> vector<512x128xf32>
    %convert_element_type3A = arith.fptosi %dot_general3A_16 : vector<512x128xf32> to vector<512x128xi32>
    %convert_element_type3A_22 = arith.fptosi %dot_general3A_21 : vector<512x128xf32> to vector<512x128xi32>
    %shift_right_arithmetic3A = arith.constant 10 : i32
    %shift_right_arithmetic3A_23 = vector.broadcast %shift_right_arithmetic3A : i32 to vector<512x128xi32>
    %shift_right_arithmetic3A_24 = arith.shrsi %convert_element_type3A_22, %shift_right_arithmetic3A_23 : vector<512x128xi32>
    %and3A = arith.constant 1023 : i32
    %and3A_25 = vector.broadcast %and3A : i32 to vector<512x128xi32>
    %and3A_26 = arith.andi %convert_element_type3A_22, %and3A_25 : vector<512x128xi32>
    %ge3A = arith.constant 0 : i32
    %ge3A_27 = vector.broadcast %ge3A : i32 to vector<512x128xi32>
    %ge3A_28 = arith.cmpi sge, %convert_element_type3A, %ge3A_27 : vector<512x128xi32>
    %lt3A = arith.constant 512 : i32
    %lt3A_29 = vector.broadcast %lt3A : i32 to vector<512x128xi32>
    %lt3A_30 = arith.cmpi slt, %convert_element_type3A, %lt3A_29 : vector<512x128xi32>
    %and3A_31 = arith.andi %ge3A_28, %lt3A_30 : vector<512x128xi1>
    %ge3A_32 = arith.constant 0 : i32
    %ge3A_33 = vector.broadcast %ge3A_32 : i32 to vector<512x128xi32>
    %ge3A_34 = arith.cmpi sge, %shift_right_arithmetic3A_24, %ge3A_33 : vector<512x128xi32>
    %and3A_35 = arith.andi %and3A_31, %ge3A_34 : vector<512x128xi1>
    %lt3A_36 = arith.constant 512 : i32
    %lt3A_37 = vector.broadcast %lt3A_36 : i32 to vector<512x128xi32>
    %lt3A_38 = arith.cmpi slt, %shift_right_arithmetic3A_24, %lt3A_37 : vector<512x128xi32>
    %and3A_39 = arith.andi %and3A_35, %lt3A_38 : vector<512x128xi1>
    %ge3A_40 = arith.constant 0 : i32
    %ge3A_41 = vector.broadcast %ge3A_40 : i32 to vector<512x128xi32>
    %ge3A_42 = arith.cmpi sge, %and3A_26, %ge3A_41 : vector<512x128xi32>
    %and3A_43 = arith.andi %and3A_39, %ge3A_42 : vector<512x128xi1>
    %lt3A_44 = arith.constant 512 : i32
    %lt3A_45 = vector.broadcast %lt3A_44 : i32 to vector<512x128xi32>
    %lt3A_46 = arith.cmpi slt, %and3A_26, %lt3A_45 : vector<512x128xi32>
    %and3A_47 = arith.andi %and3A_43, %lt3A_46 : vector<512x128xi1>
    %jit3A_48 = arith.constant 0 : i32
    %jit3A_49 = arith.constant 511 : i32
    %max3A_50 = vector.broadcast %jit3A_48 : i32 to vector<512x128xi32>
    %max3A_51 = arith.maxsi %max3A_50, %convert_element_type3A : vector<512x128xi32>
    %min3A_52 = vector.broadcast %jit3A_49 : i32 to vector<512x128xi32>
    %min3A_53 = arith.minsi %min3A_52, %max3A_51 : vector<512x128xi32>
    %shift_left3A = arith.constant 18 : i32
    %shift_left3A_54 = vector.broadcast %shift_left3A : i32 to vector<512x128xi32>
    %shift_left3A_55 = arith.shli %min3A_53, %shift_left3A_54 : vector<512x128xi32>
    %jit3A_56 = arith.constant 0 : i32
    %jit3A_57 = arith.constant 511 : i32
    %max3A_58 = vector.broadcast %jit3A_56 : i32 to vector<512x128xi32>
    %max3A_59 = arith.maxsi %max3A_58, %shift_right_arithmetic3A_24 : vector<512x128xi32>
    %min3A_60 = vector.broadcast %jit3A_57 : i32 to vector<512x128xi32>
    %min3A_61 = arith.minsi %min3A_60, %max3A_59 : vector<512x128xi32>
    %shift_left3A_62 = arith.constant 9 : i32
    %shift_left3A_63 = vector.broadcast %shift_left3A_62 : i32 to vector<512x128xi32>
    %shift_left3A_64 = arith.shli %min3A_61, %shift_left3A_63 : vector<512x128xi32>
    %or3A = arith.ori %shift_left3A_55, %shift_left3A_64 : vector<512x128xi32>
    %jit3A_65 = arith.constant 0 : i32
    %jit3A_66 = arith.constant 511 : i32
    %max3A_67 = vector.broadcast %jit3A_65 : i32 to vector<512x128xi32>
    %max3A_68 = arith.maxsi %max3A_67, %and3A_26 : vector<512x128xi32>
    %min3A_69 = vector.broadcast %jit3A_66 : i32 to vector<512x128xi32>
    %min3A_70 = arith.minsi %min3A_69, %max3A_68 : vector<512x128xi32>
    %or3A_71 = arith.ori %or3A, %min3A_70 : vector<512x128xi32>
    %shift_right_arithmetic3A_72 = arith.constant 2 : i32
    %shift_right_arithmetic3A_73 = vector.broadcast %shift_right_arithmetic3A_72 : i32 to vector<512x128xi32>
    %shift_right_arithmetic3A_74 = arith.shrsi %or3A_71, %shift_right_arithmetic3A_73 : vector<512x128xi32>
    %reshape3A = vector.shape_cast %shift_right_arithmetic3A_74 : vector<512x128xi32> to vector<65536xi32>
    %swap3A = arith.constant 0 : index
    %swap3A_75 = vector.load %arg6[%swap3A] : memref<65536xi32, #tpu.memory_space<vmem>>, vector<65536xi32>
    tpu.vector_store %arg6[%swap3A], %reshape3A {strides = array<i32>} : memref<65536xi32, #tpu.memory_space<vmem>>, vector<65536xi32>,
    %and3A_76 = arith.constant 3 : i32
    %and3A_77 = vector.broadcast %and3A_76 : i32 to vector<512x128xi32>
    %and3A_78 = arith.andi %or3A_71, %and3A_77 : vector<512x128xi32>
    %shift_left3A_79 = arith.constant 3 : i32
    %shift_left3A_80 = vector.broadcast %shift_left3A_79 : i32 to vector<512x128xi32>
    %shift_left3A_81 = arith.shli %and3A_78, %shift_left3A_80 : vector<512x128xi32>
    %convert_element_type3A_82 = arith.extui %and3A_47 : vector<512x128xi1> to vector<512x128xi32>
    %shift_left3A_83 = arith.constant 5 : i32
    %shift_left3A_84 = vector.broadcast %shift_left3A_83 : i32 to vector<512x128xi32>
    %shift_left3A_85 = arith.shli %convert_element_type3A_82, %shift_left3A_84 : vector<512x128xi32>
    %or3A_86 = arith.ori %shift_left3A_81, %shift_left3A_85 : vector<512x128xi32>
    %convert_element_type3A_87 = arith.trunci %or3A_86 : vector<512x128xi32> to vector<512x128xi8>
    %reshape3A_88 = vector.shape_cast %convert_element_type3A_87 : vector<512x128xi8> to vector<65536xi8>
    %swap3A_89 = arith.constant 0 : index
    %swap3A_90 = vector.load %arg7[%swap3A_89] : memref<65536xi8, #tpu.memory_space<vmem>>, vector<65536xi8>
    tpu.vector_store %arg7[%swap3A_89], %reshape3A_88 {strides = array<i32>} : memref<65536xi8, #tpu.memory_space<vmem>>, vector<65536xi8>,
    return
  }
  func.func @transform_0(%arg0: i32) -> (i32, i32) {
    %c0_i32 = arith.constant 0 : i32
    %c0_i32_0 = arith.constant 0 : i32
    return %arg0, %c0_i32 : i32, i32
  }
  func.func @transform_1(%arg0: i32) -> (i32, i32) {
    %c0_i32 = arith.constant 0 : i32
    %c0_i32_0 = arith.constant 0 : i32
    %c0_i32_1 = arith.constant 0 : i32
    return %c0_i32, %c0_i32_0 : i32, i32
  }
  func.func @transform_2(%arg0: i32) -> (i32, i32) {
    %c0_i32 = arith.constant 0 : i32
    %c0_i32_0 = arith.constant 0 : i32
    %c0_i32_1 = arith.constant 0 : i32
    return %c0_i32, %c0_i32_0 : i32, i32
  }
  func.func @transform_3(%arg0: i32) -> (i32, i32) {
    %c0_i32 = arith.constant 0 : i32
    %c0_i32_0 = arith.constant 0 : i32
    %c0_i32_1 = arith.constant 0 : i32
    return %c0_i32, %c0_i32_0 : i32, i32
  }
  func.func @transform_4(%arg0: i32) -> (i32, i32) {
    %c0_i32 = arith.constant 0 : i32
    %c0_i32_0 = arith.constant 0 : i32
    %c0_i32_1 = arith.constant 0 : i32
    return %c0_i32, %c0_i32_0 : i32, i32
  }
  func.func @transform_5(%arg0: i32) -> i32 {
    %c0_i32 = arith.constant 0 : i32
    return %arg0 : i32
  }
  func.func @transform_6(%arg0: i32) -> i32 {
    %c0_i32 = arith.constant 0 : i32
    return %arg0 : i32
  }
}

module attributes {stable_mosaic.version = 14 : i64} {
  func.func @_tc2_body(%arg0: i32, %arg1: memref<131072xi32, #tpu.memory_space<vmem>>, %arg2: memref<131072xi8, #tpu.memory_space<vmem>>, %arg3: memref<131072xi32, #tpu.memory_space<vmem>>) attributes {dimension_semantics = [#tpu.dimension_semantics<arbitrary>], iteration_bounds = array<i64: 32>, scalar_prefetch = 0 : i64, scratch_operands = 0 : i64, tpu.core_type = #tpu.core_type<tc>, window_params = [{transform_indices = @transform_0, window_bounds = array<i64: 131072>}, {transform_indices = @transform_1, window_bounds = array<i64: 131072>}, {transform_indices = @transform_2, window_bounds = array<i64: 131072>}]} {
    %get3A = arith.constant 0 : index
    %get3A_0 = vector.load %arg1[%get3A] : memref<131072xi32, #tpu.memory_space<vmem>>, vector<131072xi32>
    %get3A_1 = arith.constant 0 : index
    %get3A_2 = vector.load %arg2[%get3A_1] : memref<131072xi8, #tpu.memory_space<vmem>>, vector<131072xi8>
    %convert_element_type3A = arith.extsi %get3A_2 : vector<131072xi8> to vector<131072xi32>
    %and3A = arith.constant 31 : i32
    %and3A_3 = vector.broadcast %and3A : i32 to vector<131072xi32>
    %and3A_4 = arith.andi %convert_element_type3A, %and3A_3 : vector<131072xi32>
    %shift_right_arithmetic3A = arith.shrsi %get3A_0, %and3A_4 : vector<131072xi32>
    %shift_right_arithmetic3A_5 = arith.constant 5 : i32
    %shift_right_arithmetic3A_6 = vector.broadcast %shift_right_arithmetic3A_5 : i32 to vector<131072xi32>
    %shift_right_arithmetic3A_7 = arith.shrsi %convert_element_type3A, %shift_right_arithmetic3A_6 : vector<131072xi32>
    %and3A_8 = arith.andi %shift_right_arithmetic3A, %shift_right_arithmetic3A_7 : vector<131072xi32>
    %eq3A = arith.constant 1 : i32
    %eq3A_9 = vector.broadcast %eq3A : i32 to vector<131072xi32>
    %eq3A_10 = arith.cmpi eq, %and3A_8, %eq3A_9 : vector<131072xi32>
    %swap3A = arith.constant 0 : index
    %swap3A_11 = vector.load %arg3[%swap3A] : memref<131072xi32, #tpu.memory_space<vmem>>, vector<131072xi32>
    %swap3A_12 = arith.extui %eq3A_10 : vector<131072xi1> to vector<131072xi32>
    %swap3A_13 = arith.constant dense<0> : vector<131072xi32>
    %swap3A_14 = arith.cmpi ne, %swap3A_11, %swap3A_13 : vector<131072xi32>
    tpu.vector_store %arg3[%swap3A], %swap3A_12 {strides = array<i32>} : memref<131072xi32, #tpu.memory_space<vmem>>, vector<131072xi32>,
    return
  }
  func.func @transform_0(%arg0: i32) -> i32 {
    %c0_i32 = arith.constant 0 : i32
    return %arg0 : i32
  }
  func.func @transform_1(%arg0: i32) -> i32 {
    %c0_i32 = arith.constant 0 : i32
    return %arg0 : i32
  }
  func.func @transform_2(%arg0: i32) -> i32 {
    %c0_i32 = arith.constant 0 : i32
    return %arg0 : i32
  }
}

</mosaic_0001>

<sc_bundles>
// kernel: kernel.5.cloned.1.call-start
scs
__scs_entry_jumppad:
0x0: {  	(pc) =	sbr.rel $0x88, $3  }
0x1: {  	(tag) =	ssettag $0x0;
	lr =	simm.s32 $0x1  }
0x2: {  	[smem:$0x3F9D] =	sst lr;
	_ =	strace $0xD0000000  }
0x3: {  	_ = 	snop  }
0x4: {  	_ = 	snop  }
0x5: {  	_ = 	snop  }
0x6: {  	_ = 	snop  }
0x7: {  	_ = 	snop  }
__scs_overlays_trampoline_lowered:
0x8: {  	[smem:$0x3FAC] =	sst s0  }
0x9: {  	[smem:$0x3FAD] =	sst s1  }
0xa: {  	[smem:$0x3FAE] =	sst s2  }
0xb: {  	[smem:$0x3FAF] =	sst s3  }
0xc: {  	[smem:$0x3FB0] =	sst s4  }
0xd: {  	[smem:$0x3FB1] =	sst s5  }
0xe: {  	[smem:$0x3FB2] =	sst s6  }
0xf: {  	[smem:$0x3FB3] =	sst s7  }
0x10: {  	[smem:$0x3FB4] =	sst s8  }
0x11: {  	[smem:$0x3FB5] =	sst s9;
	s0 =	simm.s32 @!p0 $0x0  }
0x12: {  	s1 =	sld [smem:$0x3F9B];
	s0 =	simm.s32 @p0 $0x1  }
0x13: {  	[smem:$0x3FB6] =	sst s0;
	s0 =	simm.s32 @!p1 $0x0  }
0x14: {  	s2 =	sld [smem:$0x3F9A];
	s0 =	simm.s32 @p1 $0x1  }
0x15: {  	[smem:$0x3FB7] =	sst s0;
	s0 =	simm.s32 @!p2 $0x0  }
0x16: {  	s3 =	sld [smem:$0x3FDB];
	s0 =	simm.s32 @p2 $0x1  }
0x17: {  	s4 =	simm.s32 $0x1BF5;
	[smem:$0x3FB9] =	sst s0  }
0x18: {  	s0 =	sld [smem:$0x3F9C];
	_ =	swait.ge [sflag:s4], $0x0  }
0x19: {  	s7 =	sld [smem:$0x3F9D]  }
0x1a: {  	s8 =	sadd.s32 $0xFFFFE003, lr  }
0x1b: {  	s9 =	sadd.s32 $0xFFFFFEF7, lr;
	s5 =	simm.s32 $0xFFFFFFFF;
	p2 =	slt.u32 s8, $0xFFFFF086  }
0x1c: {  	p1 =	slt.u32 s9, $0xF7A;
	s5 =	simm.s32 @!p2 $0x0  }
0x1d: {  	s5 =	simm.s32 @p1 $0x1;
	p0 =	seq.s32 s7, s2  }
0x1e: {  	s7 =	smul.u32 @!p0 $0xF7A, s2;
	p2 =	seq.s32 @!p0 s5, $0x0  }
0x1f: {  	s9 =	smul.u32 $0xF7A, s1;
	s8 =	simm.s32 @!p0 $0x1BF5;
	p2 =	por !p2, p0  }
0x20: {  	[sflag:s8] =	ssyncset.s32 @!p0 $0xFFFFF086;
	s6 =	sadd.s32 @!p0 s3, s7;
	s7 =	simm.s32 @!p0 $0x108  }
0x21: {  	s3 =	sadd.s32 s3, s9;
	s6 =	sadd.s32 @!p0 $0x88, s6;
	s7 =	simm.s32 @p2 $0x1082  }
0x22: {  	[simem:s7], [sflag:s8] =	dma.local @!p0 [hbm:s6], $0xF7A  }
0x23: {  	s9 =	sor.u32 $0xD0000000, s2;
	s6 =	simm.s32 $0x108;
	_ =	swait.ge @!p0 [sflag:s8], $0x0  }
0x24: {  	s3 =	sadd.s32 $0x88, s3;
	s6 =	simm.s32 @!p1 $0x1082;
	[sflag:s4] =	ssyncset.s32 $0xFFFFF086  }
0x25: {  	[simem:s6], [sflag:s4] =	dma.local [hbm:s3], $0xF7A  }
0x26: {  	[smem:$0x3F9D] =	sst s1;
	(tag) =	ssettag s2;
	_ =	strace s9  }
0x27: {  	s1 =	sld [smem:$0x3FAD]  }
0x28: {  	s2 =	sld [smem:$0x3FAE]  }
0x29: {  	s4 =	sld [smem:$0x3FB0]  }
0x2a: {  	p0 =	seq.s32 s5, $0x0;
	s5 =	sld [smem:$0x3FB1]  }
0x2b: {  	s6 =	sld [smem:$0x3FB2]  }
0x2c: {  	s7 =	sld [smem:$0x3FB3]  }
0x2d: {  	s3 =	simm.s32 $0x108;
	s8 =	sld [smem:$0x3FB4]  }
0x2e: {  	s3 =	simm.s32 @!p0 $0x1082;
	s9 =	sld [smem:$0x3FB5]  }
0x2f: {  	lr =	sadd.s32 s0, s3;
	s0 =	sld [smem:$0x3FAC]  }
0x30: {  	s3 =	sld [smem:$0x3FAF]  }
0x31: {  	[smem:$0x3FB8] =	sst s10  }
0x32: {  	s10 =	sld [smem:$0x3FB6];
	_ =	sdelay $0x3  }
0x33: {  	p0 =	seq.s32 s10, $0x1;
	s10 =	sld [smem:$0x3FB8];
	_ =	sdelay $0x3  }
0x34: {  	[smem:$0x3FB8] =	sst s10  }
0x35: {  	s10 =	sld [smem:$0x3FB7];
	_ =	sdelay $0x3  }
0x36: {  	p1 =	seq.s32 s10, $0x1;
	s10 =	sld [smem:$0x3FB8];
	_ =	sdelay $0x3  }
0x37: {  	[smem:$0x3FB8] =	sst s10  }
0x38: {  	s10 =	sld [smem:$0x3FB9]  }
0x39: {  	_ = 	snop;
	(pc) =	sbr.ind lr, $3  }
0x3a: {  	_ = 	snop  }
0x3b: {  	_ = 	snop  }
0x3c: {  	p2 =	seq.s32 s10, $0x1;
	s10 =	sld [smem:$0x3FB8]  }
0x3d: {  	_ =	shalt  }
0x3e: {  	_ =	shalt  }
0x3f: {  	_ =	shalt  }
0x40: {  	_ =	shalt  }
0x41: {  	_ =	shalt  }
0x42: {  	_ =	shalt  }
0x43: {  	_ =	shalt  }
0x44: {  	_ =	shalt  }
0x45: {  	_ =	shalt  }
0x46: {  	_ =	shalt  }
0x47: {  	_ =	shalt  }
0x48: {  	_ =	shalt  }
0x49: {  	_ =	shalt  }
0x4a: {  	_ =	shalt  }
0x4b: {  	_ =	shalt  }
0x4c: {  	_ =	shalt  }
0x4d: {  	_ =	shalt  }
0x4e: {  	_ =	shalt  }
0x4f: {  	_ =	shalt  }
0x50: {  	_ =	shalt  }
0x51: {  	_ =	shalt  }
0x52: {  	_ =	shalt  }
0x53: {  	_ =	shalt  }
0x54: {  	_ =	shalt  }
0x55: {  	_ =	shalt  }
0x56: {  	_ =	shalt  }
0x57: {  	_ =	shalt  }
0x58: {  	_ =	shalt  }
0x59: {  	_ =	shalt  }
0x5a: {  	_ =	shalt  }
0x5b: {  	_ =	shalt  }
0x5c: {  	_ =	shalt  }
0x5d: {  	_ =	shalt  }
0x5e: {  	_ =	shalt  }
0x5f: {  	_ =	shalt  }
0x60: {  	_ =	shalt  }
0x61: {  	_ =	shalt  }
0x62: {  	_ =	shalt  }
0x63: {  	_ =	shalt  }
0x64: {  	_ =	shalt  }
0x65: {  	_ =	shalt  }
0x66: {  	_ =	shalt  }
0x67: {  	_ =	shalt  }
0x68: {  	_ =	shalt  }
0x69: {  	_ =	shalt  }
0x6a: {  	_ =	shalt  }
0x6b: {  	_ =	shalt  }
0x6c: {  	_ =	shalt  }
0x6d: {  	_ =	shalt  }
0x6e: {  	_ =	shalt  }
0x6f: {  	_ =	shalt  }
0x70: {  	_ =	shalt  }
0x71: {  	_ =	shalt  }
0x72: {  	_ =	shalt  }
0x73: {  	_ =	shalt  }
0x74: {  	_ =	shalt  }
0x75: {  	_ =	shalt  }
0x76: {  	_ =	shalt  }
0x77: {  	_ =	shalt  }
0x78: {  	_ =	shalt  }
0x79: {  	_ =	shalt  }
0x7a: {  	_ =	shalt  }
0x7b: {  	_ =	shalt  }
0x7c: {  	_ =	shalt  }
0x7d: {  	_ =	shalt  }
0x7e: {  	_ =	shalt  }
0x7f: {  	_ =	shalt  }
0x80: {  	_ =	shalt  }
0x81: {  	_ =	shalt  }
0x82: {  	_ =	shalt  }
0x83: {  	_ =	shalt  }
0x84: {  	_ =	shalt  }
0x85: {  	_ =	shalt  }
0x86: {  	_ =	shalt  }
0x87: {  	_ =	shalt  }
.Lfunc_end0:
.L_simem_size_0:
called_computation.1_lowered:
.L_overlay_start_0:
0x88: {  	s2 =	sld [smem:$0x3FD9]  }
0x89: {  	s3 =	sld [smem:$0x3FFE];
	_ =	sdelay $0x1  }
0x8a: {  	s1 =	srdreg.scid  }
0x8b: {  	s0 =	sand.u32 $0x1, s1  }
0x8c: {  	s16 =	sshll.u32 s0, $0xA;
	s2 =	sadd.s32 s3, s2  }
0x8d: {  	s2 =	sadd.s32 s2, s16  }
0x8e: {  	[smem:$0x3FC4] =	sst s2  }
0x8f: {  	_ = 	snop  }
0x90: {  	(tm) =	ssettm $0x1  }
0x91: {  	s17 =	sld [smem:$0x3FFB];
	_ =	sdelay $0x3  }
0x92: {  	_ =	strace s17  }
0x93: {  	s2 =	sld [smem:$0x3FFC];
	_ =	sdelay $0x3  }
0x94: {  	_ =	strace s2  }
0x95: {  	s2 =	sld [smem:$0x3FFD];
	_ =	sdelay $0x3  }
0x96: {  	_ =	strace s2  }
0x97: {  	_ =	strace $0x8FFFFFFF  }
0x98: {  	s18 =	sld [smem:$0x3FDB];
	_ =	sdelay $0x1  }
0x99: {  	s19 =	simm.s32 $_scs_section_size  }
0x9a: {  	s4 =	simm.s32 $_size__tile_overlayer_lowered;
	s5 =	simm.s32 $_tile_overlayer_lowered  }
0x9b: {  	s22 =	simm.s32 $0x1BFF;
	s21 =	sshll.u32 s5, $0x1;
	s2 =	sadd.s32 s19, s18  }
0x9c: {  	s6 =	simm.s32 $0x0;
	s20 =	sshll.u32 s4, $0x1;
	s4 =	sadd.s32 s21, s2  }
0x9d: {  	[timem:s6], [sflag:s22] =	dma.local [hbm:s4], s20  }
0x9e: {  	_ =	swait.ge [sflag:s22], s20  }
0x9f: {  	s3 =	ssub.s32 $0x0, s20;
	[sflag:s22] =	ssyncset.done $0x0  }
0xa0: {  	[sflag:s22] =	ssyncadd.s32 s3;
	_ =	sdelay $0x1  }
0xa1: {  	s23 =	simm.s32 $0x1B8B  }
0xa2: {  	_ =	swait.ge [sflag:s23], $0x1  }
0xa3: {  	[sflag:s23] =	ssyncset.done $0x0  }
0xa4: {  	s25 =	simm.s32 $0x1B8E;
	s24 =	sld [smem:$0x3FFE];
	[sflag:s23] =	ssyncadd.s32 $0xFFFFFFFF  }
0xa5: {  	s26 =	simm.s32 $execute0_lowered;
	[smem:$0x3FD2] =	sst s25  }
0xa6: {  	s4 =	sshll.u32 s26, $0x1;
	_ =	strace $0x80000049;
	[dreg:$0x1] =	wrdreg $0xFFFFFFFF  }
0xa7: {  	s28 =	simm.s32 $_size_execute0_lowered;
	s2 =	sadd.s32 s2, s4;
	[dreg:$0x0] =	wrdreg $0x0  }
0xa8: {  	s4 =	sshll.u32 s28, $0x1;
	[dreg:$0x2] =	wrdreg s2  }
0xa9: {  	[dreg:$0x3] =	wrdreg s4  }
0xaa: {  	[dreg:$0x4] =	wrdreg $0xC0  }
0xab: {  	_ =	task [dreg:s6], $0x5FFFF  }
0xac: {  	[dreg:$0x1] =	wrdreg $0xFFFFFFFF  }
0xad: {  	[dreg:$0x0] =	wrdreg $0x60  }
0xae: {  	[dreg:$0x2] =	wrdreg s24  }
0xaf: {  	[dreg:$0x3] =	wrdreg $0x9  }
0xb0: {  	_ =	task.clear_ibuf [dreg:s6], $0x4FFFF;
	_ =	strace $0x90000049  }
0xb1: {  	s29 =	simm.s32 $0x9;
	_ =	strace $0x8000004B  }
0xb2: {  	_ =	swait.ge [sflag:s29], $0x1  }
0xb3: {  	[sflag:s29] =	ssyncadd.s32 $0xFFFFFFFF  }
0xb4: {  	_ =	strace $0x9000004B  }
0xb5: {  	_ =	sfence  }
0xb6: {  	s30 =	sld [smem:$0x0];
	_ =	sdelay $0x2  }
0xb7: {  	s31 =	sshll.u32 s1, $0xD;
	s1 =	sshrl.u32 s1, $0x2  }
0xb8: {  	s3 =	sand.u32 $0x4000, s31;
	s1 =	sadd.s32 s1, s30  }
0xb9: {  	s0 =	sor.u32 s3, s0;
	s1 =	sshll.u32 s1, $0x11  }
0xba: {  	s0 =	sor.u32 s1, s0  }
0xbb: {  	s0 =	sadd.s32 $0x8F2B, s0  }
0xbc: {  	[sflag:s0] =	ssyncadd.remote.s32 $0x1  }
0xbd: {  	_ =	sfence.sel $0xFFFF  }
0xbe: {  	[dreg:$0x0] =	wrdreg $0xFFFFFFFF;
	(pc) =	sbr.abs _section_cstart, $3  }
0xbf: {  	[dreg:$0x1] =	wrdreg $0xFFFFFFFF  }
0xc0: {  	_ =	task.clear_ibuf [dreg:s6], $0x2FFFF;
	_ =	strace $0x9FFFFFFF  }
0xc1: {  	(tm) =	ssettm $0x7FFFFFFF  }
tec
execute0_lowered:
.L_overlay_start_1:
0x0: {  	(tag) =	ssettag $0x1  }
0x1: {  	s2 =	rddreg [dreg:$0x0]  }
0x2: {  	s0 =	rddreg [dreg:$0x1];
	s1 =	simm.s32 $0x0;
	s3 =	srdreg.scid  }
0x3: {  	s9 =	simm.s32 $0x1;
	s10 =	simm.s32 $0x2000;
	s11 =	simm.s32 $0x0  }
0x4: {  	[smem:$0x7FF] =	sst s1;
	s6 =	sand.u32 $0x1, s3;
	s3 =	sadd.s32 $0x1000, s2  }
0x5: {  	s4 =	sadd.s32 $0x801000, s2;
	s5 =	sadd.s32 $0x401000, s2;
	s7 =	ssub.s32 $0x2, s6  }
0x6: {  	s2 =	stileid.u32;
	_ =	strace $0x8000004A;
	s8 =	sshrl.u32 s7, $0x1  }
0x7: {  	s31 =	sshll.u32 s2, $0xF;
	s6 =	sshll.u32 s6, $0xE;
	s7 =	ssub.s32 s7, s8  }
0x8: {  	vm0 =	vmmov $0xffff;
	s6 =	sor.u32 s6, s31;
	s8 =	simm.s32 $0x2;
	s7 =	smax.u32 s7, $0x1  }
.LBB2_1:
0x9: {  	s12 =	simm.s32 $0x0  }
.LBB2_2:
0xa: {  	s13 =	sshll.u32 s12, $0xA  }
0xb: {  	s13 =	sadd.s32 s6, s13  }
0xc: {  	s14 =	simm.s32 $0x0;
	s15 =	sadd.s32 s4, s13  }
0xd: {  	[tilespmem:s14], [sflag:$0x2] =	stream.linear.gather [hbm4b:s15+s14], $0x2000, $0x38;
	[tilespmem:$0x4000] =	vst v63  }
0xe: {  	_ =	swait.ge [sflag:s8], $0x2000  }
0xf: {  	[sflag:s8] =	ssyncset.done $0x0  }
0x10: {  	s15 =	simm.s32 $0xFFFFFFF8;
	[sflag:s8] =	ssyncadd.s32 $0xFFFFE000  }
.LBB2_3:
0x11: {  	s16 =	sshra.s32 s14, $0x2  }
0x12: {  	v0 =	vld [tilespmem:s16+$0x0];
	_ =	sdelay $0x6  }
0x13: {  	s17 =	sadd.s32 $0x2000, s16  }
0x14: {  	[tilespmem:s17], [sflag:$0x1] =	stream.indirect_vreg.gather [hbm4b:s3+s1], $0x1, v0, vm0, $0xb8;
	[tilespmem:$0x4000] =	vst v63  }
0x15: {  	v0 =	vld [tilespmem:s16+$0x10];
	_ =	sdelay $0x6  }
0x16: {  	s25 =	sadd.s32 $0x2010, s16  }
0x17: {  	[tilespmem:s25], [sflag:$0x1] =	stream.indirect_vreg.gather [hbm4b:s3+s1], $0x1, v0, vm0, $0xb8;
	[tilespmem:$0x4000] =	vst v63  }
0x18: {  	v0 =	vld [tilespmem:s16+$0x20];
	_ =	sdelay $0x6  }
0x19: {  	s26 =	sadd.s32 $0x2020, s16  }
0x1a: {  	[tilespmem:s26], [sflag:$0x1] =	stream.indirect_vreg.gather [hbm4b:s3+s1], $0x1, v0, vm0, $0xb8;
	[tilespmem:$0x4000] =	vst v63  }
0x1b: {  	v0 =	vld [tilespmem:s16+$0x30];
	_ =	sdelay $0x6  }
0x1c: {  	s28 =	sadd.s32 $0x2030, s16  }
0x1d: {  	[tilespmem:s28], [sflag:$0x1] =	stream.indirect_vreg.gather [hbm4b:s3+s1], $0x1, v0, vm0, $0xb8;
	[tilespmem:$0x4000] =	vst v63  }
0x1e: {  	v0 =	vld [tilespmem:s16+$0x40];
	_ =	sdelay $0x6  }
0x1f: {  	s29 =	sadd.s32 $0x2040, s16  }
0x20: {  	[tilespmem:s29], [sflag:$0x1] =	stream.indirect_vreg.gather [hbm4b:s3+s1], $0x1, v0, vm0, $0xb8;
	[tilespmem:$0x4000] =	vst v63  }
0x21: {  	v0 =	vld [tilespmem:s16+$0x50];
	_ =	sdelay $0x6  }
0x22: {  	s30 =	sadd.s32 $0x2050, s16  }
0x23: {  	[tilespmem:s30], [sflag:$0x1] =	stream.indirect_vreg.gather [hbm4b:s3+s1], $0x1, v0, vm0, $0xb8;
	[tilespmem:$0x4000] =	vst v63  }
0x24: {  	v0 =	vld [tilespmem:s16+$0x60];
	_ =	sdelay $0x6  }
0x25: {  	s31 =	sadd.s32 $0x2060, s16  }
0x26: {  	[tilespmem:s31], [sflag:$0x1] =	stream.indirect_vreg.gather [hbm4b:s3+s1], $0x1, v0, vm0, $0xb8;
	[tilespmem:$0x4000] =	vst v63  }
0x27: {  	v0 =	vld [tilespmem:s16+$0x70];
	_ =	sdelay $0x1  }
0x28: {  	s15 =	sadd.s32 $0x8, s15  }
0x29: {  	p0 =	slt.u32 s15, $0x1F8  }
.Ltmp0:
0x2a: {  	_ = 	snop;
	(pc) =	sbr.rel @p0 .LBB2_3-.Ltmp0, $3  }
0x2b: {  	_ =	sdelay $0x1  }
0x2c: {  	s14 =	sadd.s32 $0x200, s14;
	s16 =	sadd.s32 $0x2070, s16  }
0x2d: {  	[tilespmem:s16], [sflag:$0x1] =	stream.indirect_vreg.gather [hbm4b:s3+s1], $0x1, v0, vm0, $0xb8;
	[tilespmem:$0x4000] =	vst v63  }
0x2e: {  	_ =	swait.ge [sflag:s9], $0x2000;
	s12 =	sadd.s32 $0x1, s12  }
0x2f: {  	[sflag:s9] =	ssyncset.done $0x0;
	p0 =	sne.s32 s12, $0x10  }
.Ltmp1:
0x30: {  	s13 =	sadd.s32 s5, s13;
	[sflag:s9] =	ssyncadd.s32 $0xFFFFE000;
	(pc) =	sbr.rel @p0 .LBB2_2-.Ltmp1, $4  }
0x31: {  	[hbm4b:s13+s1] =	stream.linear.scatter [tilespmem:s10], [sflag:$0x2], $0x2000, $0x38;
	[tilespmem:$0x4000] =	vst v63  }
0x32: {  	_ =	swait.ge [sflag:s8], $0x2000  }
0x33: {  	[sflag:s8] =	ssyncset.done $0x0  }
0x34: {  	[sflag:s8] =	ssyncadd.s32 $0xFFFFE000  }
0x35: {  	s11 =	sadd.s32 $0x1, s11  }
0x36: {  	p0 =	sne.s32 s11, s7  }
.Ltmp2:
0x37: {  	_ = 	snop;
	(pc) =	sbr.rel @p0 .LBB2_1-.Ltmp2, $1  }
0x38: {  	_ =	sdelay $0x3  }
0x39: {  	_ =	sfence.sel $0x180000  }
0x3a: {  	[bflag:$0x0] =	sbarrier.arrive $0xFFFF  }
0x3b: {  	p0 =	sne.s32 s2, $0x0;
	_ =	strace $0x9000004A  }
0x3c: {  	s0 =	sadd.s32 @!p0 $0x100000, s0;
	[bflag:$0x2] =	sbarrier.arrive $0xFFFF  }
0x3d: {  	[sflag:s0] =	ssyncadd.tile.s32 @!p0 $0x1;
	_ =	shalt  }
.Lfunc_end2:
_tile_overlayer_lowered:
.L_overlay_start_2:
0x3e: {  	(tag) =	ssettag $0x2  }
0x3f: {  	s0 =	rddreg [dreg:$0x0];
	s2 =	stileid.u32  }
0x40: {  	s1 =	rddreg [dreg:$0x1];
	p0 =	sne.s32 s2, $0x0  }
0x41: {  	s3 =	rddreg [dreg:$0x2];
	[bflag:$0x3] =	sbarrier.arrive $0xFFFF;
	s2 =	simm.s32 @!p0 $0x1C02  }
0x42: {  	[timem:s3], [sflag:s2] =	dma.local @!p0 [hbm:s0], s1  }
0x43: {  	s0 =	simm.s32 @!p0 $0x2  }
0x44: {  	_ =	swait.ge @!p0 [sflag:s0], s1  }
0x45: {  	s1 =	ssub.s32 @!p0 $0x0, s1;
	[sflag:s0] =	ssyncset.done @!p0 $0x0  }
0x46: {  	[sflag:s0] =	ssyncadd.s32 @!p0 s1  }
0x47: {  	[bflag:$0x3] =	sbarrier.arrive $0xFFFF  }
0x48: {  	_ =	shalt  }

// kernel: sparse-core-data-format-call.cloned.1.call-start
scs
called_computation_lowered:
.L_overlay_start_0:
0x0: {  	s1 =	sld [smem:$0x3FD9]  }
0x1: {  	s2 =	sld [smem:$0x3FFE];
	_ =	sdelay $0x1  }
0x2: {  	s3 =	srdreg.scid  }
0x3: {  	s0 =	sand.u32 $0x1, s3  }
0x4: {  	s17 =	sshll.u32 s0, $0xA;
	s1 =	sadd.s32 s2, s1  }
0x5: {  	s1 =	sadd.s32 s1, s17  }
0x6: {  	[smem:$0x3FC4] =	sst s1  }
0x7: {  	_ = 	snop  }
0x8: {  	(tm) =	ssettm $0x1  }
0x9: {  	s18 =	sld [smem:$0x3FFB];
	_ =	sdelay $0x3  }
0xa: {  	_ =	strace s18  }
0xb: {  	s1 =	sld [smem:$0x3FFC];
	_ =	sdelay $0x3  }
0xc: {  	_ =	strace s1  }
0xd: {  	s1 =	sld [smem:$0x3FFD];
	_ =	sdelay $0x3  }
0xe: {  	_ =	strace s1  }
0xf: {  	_ =	strace $0x8FFFFFFF  }
0x10: {  	s19 =	sld [smem:$0x3FDB];
	_ =	sdelay $0x1  }
0x11: {  	s20 =	simm.s32 $_scs_section_size  }
0x12: {  	s4 =	simm.s32 $_size__tile_overlayer_lowered;
	s5 =	simm.s32 $_tile_overlayer_lowered  }
0x13: {  	s23 =	simm.s32 $0x1BFF;
	s22 =	sshll.u32 s5, $0x1;
	s1 =	sadd.s32 s20, s19  }
0x14: {  	s6 =	simm.s32 $0x0;
	s21 =	sshll.u32 s4, $0x1;
	s4 =	sadd.s32 s22, s1  }
0x15: {  	[timem:s6], [sflag:s23] =	dma.local [hbm:s4], s21  }
0x16: {  	_ =	swait.ge [sflag:s23], s21  }
0x17: {  	s2 =	ssub.s32 $0x0, s21;
	[sflag:s23] =	ssyncset.done $0x0  }
0x18: {  	[sflag:s23] =	ssyncadd.s32 s2;
	_ =	sdelay $0x1  }
0x19: {  	s24 =	simm.s32 $0x1B8B  }
0x1a: {  	_ =	swait.ge [sflag:s24], $0x1  }
0x1b: {  	[sflag:s24] =	ssyncset.done $0x0  }
0x1c: {  	s26 =	simm.s32 $0x1B8E;
	s25 =	sld [smem:$0x3FFE];
	[sflag:s24] =	ssyncadd.s32 $0xFFFFFFFF  }
0x1d: {  	s27 =	simm.s32 $execute0_lowered;
	[smem:$0x3FD2] =	sst s26  }
0x1e: {  	s4 =	sshll.u32 s27, $0x1;
	_ =	strace $0x80000046;
	[dreg:$0x1] =	wrdreg $0xFFFFFFFF  }
0x1f: {  	s28 =	simm.s32 $_size_execute0_lowered;
	s1 =	sadd.s32 s1, s4;
	[dreg:$0x0] =	wrdreg $0x0  }
0x20: {  	s4 =	sshll.u32 s28, $0x1;
	[dreg:$0x2] =	wrdreg s1  }
0x21: {  	[dreg:$0x3] =	wrdreg s4  }
0x22: {  	[dreg:$0x4] =	wrdreg $0xC0  }
0x23: {  	_ =	task [dreg:s6], $0x5FFFF  }
0x24: {  	[dreg:$0x1] =	wrdreg $0xFFFFFFFF  }
0x25: {  	[dreg:$0x0] =	wrdreg $0x60  }
0x26: {  	[dreg:$0x2] =	wrdreg s25  }
0x27: {  	[dreg:$0x3] =	wrdreg $0x9  }
0x28: {  	_ =	task.clear_ibuf [dreg:s6], $0x4FFFF;
	_ =	strace $0x90000046  }
0x29: {  	s29 =	simm.s32 $0x9;
	_ =	strace $0x80000048  }
0x2a: {  	_ =	swait.ge [sflag:s29], $0x1  }
0x2b: {  	[sflag:s29] =	ssyncadd.s32 $0xFFFFFFFF  }
0x2c: {  	_ =	strace $0x90000048  }
0x2d: {  	_ =	sfence  }
0x2e: {  	s30 =	sld [smem:$0x0];
	_ =	sdelay $0x2  }
0x2f: {  	s31 =	sshll.u32 s3, $0xD;
	s3 =	sshrl.u32 s3, $0x2  }
0x30: {  	s2 =	sand.u32 $0x4000, s31;
	s1 =	sadd.s32 s3, s30  }
0x31: {  	s0 =	sor.u32 s2, s0;
	s1 =	sshll.u32 s1, $0x11  }
0x32: {  	s0 =	sor.u32 s1, s0  }
0x33: {  	s0 =	sadd.s32 $0x8F2B, s0  }
0x34: {  	[sflag:s0] =	ssyncadd.remote.s32 $0x1  }
0x35: {  	_ =	sfence.sel $0xFFFF  }
0x36: {  	[dreg:$0x0] =	wrdreg $0xFFFFFFFF;
	(pc) =	sbr.abs _section_cstart, $3  }
0x37: {  	[dreg:$0x1] =	wrdreg $0xFFFFFFFF  }
0x38: {  	_ =	task.clear_ibuf [dreg:s6], $0x2FFFF;
	_ =	strace $0x9FFFFFFF  }
0x39: {  	(tm) =	ssettm $0x7FFFFFFF  }
tec
execute0_lowered:
.L_overlay_start_1:
0x0: {  	(tag) =	ssettag $0x1  }
0x1: {  	s1 =	rddreg [dreg:$0x0]  }
0x2: {  	s0 =	rddreg [dreg:$0x1]  }
0x3: {  	_ =	strace $0x80000047;
	s4 =	srdreg.scid;
	s6 =	simm.s32 $0x2  }
0x4: {  	s12 =	simm.s32 $0x0;
	p0 =	por $0x0, $0x0;
	s11 =	simm.s32 $0x0  }
.Ltmp0:
0x5: {  	s10 =	simm.s32 $0x0;
	s7 =	simm.s32 $0x0;
	(pc) =	sbr.rel .LBB1_1-.Ltmp0, $4  }
0x6: {  	s2 =	sadd.s32 $0x401000, s1;
	s3 =	sadd.s32 $0x1000, s1;
	s5 =	sshll.u32 s4, $0x4  }
0x7: {  	s1 =	stileid.u32;
	s4 =	simm.s32 $0x1;
	s5 =	sand.u32 $0x10, s5  }
0x8: {  	s9 =	simm.s32 $0x0;
	[sflag:s4] =	ssyncpa.u1 $0x0;
	s5 =	sor.u32 s1, s5  }
0x9: {  	[sflag:s6] =	ssyncpa.u1 $0x0;
	s6 =	simm.s32 $0x0;
	s8 =	smov.u32 s5  }
.LBB1_5:
0xa: {  	s13 =	sadd.s32 $0x80, s7  }
0xb: {  	s10 =	sadd.s32 $0x20, s8;
	s14 =	smov.u32 s8;
	p2 =	sgt.s32 s13, $0x1FF  }
0xc: {  	s14 =	smov.u32 @p2 s10  }
0xd: {  	s16 =	smov.u32 s9;
	s10 =	sadd.s32 $0x80, s9;
	p3 =	sgt.s32 s14, $0x1FF  }
0xe: {  	p1 =	slt.u32 s6, $0x2;
	s16 =	smov.u32 @p3 s10  }
0xf: {  	s6 =	sadd.s32 $0x1, s6;
	s13 =	simm.s32 @p2 $0x0;
	p2 =	sgt.s32 s16, $0x7F  }
0x10: {  	s16 =	simm.s32 @p2 $0x0;
	p2 =	sne.s32 s6, $0x42  }
.Ltmp1:
0x11: {  	s15 =	simm.s32 @!p1 $0x2;
	(pc) =	sbr.rel @!p2 .LBB1_6-.Ltmp1, $4  }
0x12: {  	s12 =	smov.u32 s7;
	_ =	swait.ge @!p1 [sflag:s15], $0x4000  }
0x13: {  	s11 =	smov.u32 s8;
	p0 =	por !p0, !p0;
	[sflag:s15] =	ssyncset.done @!p1 $0x0  }
0x14: {  	s7 =	smov.u32 s13;
	s14 =	smov.u32 @p3 s5;
	s10 =	smov.u32 s9  }
0x15: {  	[sflag:s15] =	ssyncadd.s32 @!p1 $0xFFFFC000;
	s8 =	smov.u32 s14;
	s9 =	smov.u32 s16  }
.LBB1_1:
0x16: {  	p1 =	sgt.u32 s6, $0x3F  }
0x17: {  	s13 =	sxor.u32 @!p1 $0xFFFFFFFF, s6  }
0x18: {  	s14 =	sshll.u32 @!p1 s8, $0x9;
	s15 =	sshll.u32 @!p1 s7, $0x3;
	s16 =	sshll.u32 @!p1 s8, $0x7  }
0x19: {  	s17 =	sand.u32 @!p1 $0x78, s7;
	s14 =	sand.u32 @!p1 $0x3F000, s14;
	s15 =	sand.u32 @!p1 $0x3FC00, s15  }
0x1a: {  	s13 =	sshll.u32 @!p1 s13, $0xE;
	s14 =	sadd.s32 @!p1 s14, s15;
	s15 =	sand.u32 @!p1 $0x200, s16  }
0x1b: {  	s13 =	sand.u32 @!p1 $0x4000, s13;
	s14 =	sor.u32 @!p1 s15, s14;
	s15 =	sand.u32 @!p1 $0x180, s16  }
0x1c: {  	s16 =	sshll.u32 @!p1 s9, $0xF;
	s15 =	sor.u32 @!p1 s17, s15;
	s14 =	sshrl.u32 @!p1 s14, $0x3  }
0x1d: {  	s16 =	sadd.s32 @!p1 s2, s16;
	s17 =	sand.u32 @!p1 $0x7, s7;
	s15 =	sshrl.u32 @!p1 s15, $0x3  }
0x1e: {  	s14 =	sand.u32 @!p1 $0x7FC0, s14;
	s15 =	sadd.s32 @!p1 s15, s16;
	s16 =	sshll.u32 @!p1 s17, $0x12  }
0x1f: {  	s14 =	sadd.s32 @!p1 s14, s15;
	s15 =	sor.u32 @!p1 $0x80, s16;
	s16 =	simm.s32 @!p1 $0x40000  }
0x20: {  	[tilespmem:s13], [sflag:$0x1] =	stream.strided.gather @!p1 [hbm4b:s14+s15], $0x4000, s16, s15, $0x38;
	[tilespmem:$0x10100] =	vst v63  }
0x21: {  	p1 =	seq.s32 s6, $0x0  }
0x22: {  	p2 =	seq.s32 @!p1 s6, $0x41  }
0x23: {  	p1 =	por p1, p2  }
.Ltmp2:
0x24: {  	_ = 	snop;
	(pc) =	sbr.rel @p1 .LBB1_5-.Ltmp2, $1  }
0x25: {  	_ =	sdelay $0x3  }
0x26: {  	s13 =	simm.s32 $0x1  }
0x27: {  	_ =	swait.ge [sflag:s4], $0x4000;
	s13 =	simm.s32 @!p0 $0x0  }
0x28: {  	[sflag:s4] =	ssyncset.done $0x0;
	s14 =	sshll.u32 s13, $0xE  }
0x29: {  	[sflag:s4] =	ssyncadd.s32 $0xFFFFC000;
	s16 =	sor.u32 $0x40, s14  }
0x2a: {  	s13 =	smul.u32 $0x10200, s13;
	v0 =	vld [tilespmem:s16+$0x30]  }
0x2b: {  	v3 =	vld [tilespmem:s16+$0xFFFFFFD0]  }
0x2c: {  	s13 =	sshrl.u32 s13, $0x2;
	v4 =	vld [tilespmem:s16+$0xFFFFFFE0]  }
0x2d: {  	v5 =	vld [tilespmem:s16+$0xFFFFFFF0];
	s14 =	sor.u32 $0x8000, s13  }
0x2e: {  	s31 =	sand.u32 $0x1, s6;
	v1 =	vld [tilespmem:s16+$0x0];
	s15 =	sadd.s32 $0x0, s14  }
0x2f: {  	v2 =	vld [tilespmem:s16+$0x10];
	s13 =	smul.u32 $0x10200, s31;
	[tilespmem:s15+$0x3870 ss:$0x81] =	vst.msk $0xffff, v0  }
0x30: {  	[tilespmem:s15+$0x810 ss:$0x81] =	vst.msk $0xffff, v3;
	v3 =	vld [tilespmem:s16+$0x20]  }
0x31: {  	s13 =	sshrl.u32 s13, $0x2;
	v0 =	vld [tilespmem:s16+$0xFFFFFFC0];
	[tilespmem:s15+$0x1020 ss:$0x81] =	vst.msk $0xffff, v4;
	s16 =	sadd.s32 $0x80, s16  }
0x32: {  	s17 =	simm.s32 $0x4;
	s18 =	simm.s32 $0x8;
	s13 =	sor.u32 $0x8000, s13;
	[tilespmem:s15+$0x1830 ss:$0x81] =	vst.msk $0xffff, v5;
	v4 =	vld [tilespmem:s16+$0x30]  }
.LBB1_3:
0x33: {  	p1 =	sne.s32 s18, $0x1FC;
	v5 =	vld [tilespmem:s16+$0xFFFFFFD0];
	[tilespmem:s15+$0x2040 ss:$0x81] =	vst.msk $0xffff, v1  }
0x34: {  	v6 =	vld [tilespmem:s16+$0xFFFFFFE0];
	[tilespmem:s15+$0x2850 ss:$0x81] =	vst.msk $0xffff, v2  }
0x35: {  	s19 =	sshra.s32 s17, $0x2;
	s17 =	smov.u32 s18;
	v7 =	vld [tilespmem:s16+$0xFFFFFFF0];
	[tilespmem:s15+$0x3060 ss:$0x81] =	vst.msk $0xffff, v3  }
.Ltmp3:
0x36: {  	v1 =	vld [tilespmem:s16+$0x0];
	[tilespmem:s15+$0x0 ss:$0x81] =	vst.msk $0xffff, v0;
	s15 =	sadd.s32 s19, s14;
	(pc) =	sbr.rel @p1 .LBB1_3-.Ltmp3, $4  }
0x37: {  	v2 =	vld [tilespmem:s16+$0x10];
	[tilespmem:s15+$0x3870 ss:$0x81] =	vst.msk $0xffff, v4  }
0x38: {  	[tilespmem:s15+$0x810 ss:$0x81] =	vst.msk $0xffff, v5;
	v3 =	vld [tilespmem:s16+$0x20]  }
0x39: {  	v0 =	vld [tilespmem:s16+$0xFFFFFFC0];
	[tilespmem:s15+$0x1020 ss:$0x81] =	vst.msk $0xffff, v6;
	s16 =	sadd.s32 $0x80, s16  }
0x3a: {  	s18 =	sadd.s32 $0x4, s18;
	v4 =	vld [tilespmem:s16+$0x30];
	[tilespmem:s15+$0x1830 ss:$0x81] =	vst.msk $0xffff, v7  }
0x3b: {  	v5 =	vld [tilespmem:s16+$0xFFFFFFD0];
	[tilespmem:s15+$0x2040 ss:$0x81] =	vst.msk $0xffff, v1  }
0x3c: {  	v58 =	vld [tilespmem:s16+$0xFFFFFFE0];
	[tilespmem:s15+$0x2850 ss:$0x81] =	vst.msk $0xffff, v2  }
0x3d: {  	s17 =	sshra.s32 s17, $0x2;
	v59 =	vld [tilespmem:s16+$0xFFFFFFF0];
	[tilespmem:s15+$0x3060 ss:$0x81] =	vst.msk $0xffff, v3  }
0x3e: {  	v60 =	vld [tilespmem:s16+$0x0];
	s14 =	sadd.s32 s17, s14;
	[tilespmem:s15+$0x0 ss:$0x81] =	vst.msk $0xffff, v0  }
0x3f: {  	v61 =	vld [tilespmem:s16+$0x10];
	[tilespmem:s14+$0x3870 ss:$0x81] =	vst.msk $0xffff, v4  }
0x40: {  	v62 =	vld [tilespmem:s16+$0x20];
	s12 =	sshll.u32 s12, $0x7;
	s28 =	sshll.u32 s10, $0x3;
	[tilespmem:s14+$0x810 ss:$0x81] =	vst.msk $0xffff, v5  }
0x41: {  	v63 =	vld [tilespmem:s16+$0xFFFFFFC0];
	s29 =	sand.u32 $0xFC00, s12;
	s15 =	sand.u32 $0xFC00, s28;
	[tilespmem:s14+$0x1020 ss:$0x81] =	vst.msk $0xffff, v58  }
0x42: {  	s11 =	sshll.u32 s11, $0xD;
	s12 =	sand.u32 $0x380, s12;
	s15 =	sadd.s32 s15, s29;
	[tilespmem:s14+$0x1830 ss:$0x81] =	vst.msk $0xffff, v59  }
.Ltmp4:
0x43: {  	s30 =	sshrl.u32 s10, $0x3;
	[tilespmem:s14+$0x2040 ss:$0x81] =	vst.msk $0xffff, v60;
	s12 =	sor.u32 s12, s15;
	(pc) =	sbr.rel .LBB1_5-.Ltmp4, $4  }
0x44: {  	s11 =	sadd.s32 s3, s11;
	[tilespmem:s14+$0x2850 ss:$0x81] =	vst.msk $0xffff, v61;
	s15 =	sand.u32 $0xF, s30;
	s12 =	sshrl.u32 s12, $0x3  }
0x45: {  	[tilespmem:s14+$0x3060 ss:$0x81] =	vst.msk $0xffff, v62;
	s11 =	sadd.s32 s15, s11;
	s12 =	sand.u32 $0x1FF0, s12  }
0x46: {  	s31 =	sand.u32 $0x7, s10;
	[tilespmem:s14+$0x0 ss:$0x81] =	vst.msk $0xffff, v63;
	s11 =	sadd.s32 s12, s11  }
0x47: {  	[hbm4b:s11+s31] =	stream.linear.scatter [tilespmem:s13], [sflag:$0x2], $0x4000, $0x20;
	[tilespmem:$0x10100] =	vst v63  }
.LBB1_6:
0x48: {  	_ =	sfence.sel $0x180000  }
0x49: {  	s2 =	simm.s32 $0x1;
	[bflag:$0x0] =	sbarrier.arrive $0xFFFF  }
0x4a: {  	s31 =	simm.s32 $0x2;
	[sflag:s2] =	ssyncpa.u1 $0x1  }
0x4b: {  	[sflag:s31] =	ssyncpa.u1 $0x1  }
0x4c: {  	p0 =	sne.s32 s1, $0x0;
	_ =	strace $0x90000047  }
0x4d: {  	s0 =	sadd.s32 @!p0 $0x100000, s0;
	[bflag:$0x2] =	sbarrier.arrive $0xFFFF  }
0x4e: {  	[sflag:s0] =	ssyncadd.tile.s32 @!p0 $0x1;
	_ =	shalt  }
.Lfunc_end1:
_tile_overlayer_lowered:
.L_overlay_start_2:
0x4f: {  	(tag) =	ssettag $0x2  }
0x50: {  	s0 =	rddreg [dreg:$0x0];
	s2 =	stileid.u32  }
0x51: {  	s1 =	rddreg [dreg:$0x1];
	p0 =	sne.s32 s2, $0x0  }
0x52: {  	s3 =	rddreg [dreg:$0x2];
	[bflag:$0x3] =	sbarrier.arrive $0xFFFF;
	s2 =	simm.s32 @!p0 $0x1C01  }
0x53: {  	[timem:s3], [sflag:s2] =	dma.local @!p0 [hbm:s0], s1  }
0x54: {  	s0 =	simm.s32 @!p0 $0x1  }
0x55: {  	_ =	swait.ge @!p0 [sflag:s0], s1  }
0x56: {  	s1 =	ssub.s32 @!p0 $0x0, s1;
	[sflag:s0] =	ssyncset.done @!p0 $0x0  }
0x57: {  	[sflag:s0] =	ssyncadd.s32 @!p0 s1  }
0x58: {  	[bflag:$0x3] =	sbarrier.arrive $0xFFFF  }
0x59: {  	_ =	shalt  }

</sc_bundles>
